<compile_context>
chip_gen: v7x
topology: tpu7x:2x2x1
jax: 0.10.2.dev20260603
libtpu: 0.0.44.dev20260713+nightly
codegen_flags: <defaults>
</compile_context>

<pallas_src>
import functools

import jax
import jax.numpy as jnp
from jax import lax
from jax.experimental import pallas as pl
from jax.experimental.pallas import tpu as pltpu
from jax.experimental.pallas import tpu_sc as plsc

HIDDEN = 128
BATCH = 16384

_NC = 2
_NS = 16
_NW = _NC * _NS
_BPW = BATCH // _NW
_NCH = 4
_CH = _BPW // _NCH

_mesh = plsc.VectorSubcoreMesh(core_axis_name="c", subcore_axis_name="s")


@functools.partial(
    pl.kernel,
    mesh=_mesh,
    out_type=jax.ShapeDtypeStruct((BATCH, HIDDEN), jnp.float32),
    scratch_types=[
        pltpu.VMEM((_NCH, _CH), jnp.int32),
        pltpu.VMEM_SHARED((2, HIDDEN), jnp.float32),
        pltpu.VMEM((_BPW, HIDDEN), jnp.float32),
        pltpu.SemaphoreType.DMA,
        pltpu.SemaphoreType.DMA,
        pltpu.SemaphoreType.DMA,
        pltpu.SemaphoreType.DMA,
        pltpu.SemaphoreType.DMA,
        pltpu.SemaphoreType.DMA,
        pltpu.SemaphoreType.DMA,
        pltpu.SemaphoreType.DMA,
        pltpu.SemaphoreType.DMA,
        pltpu.SemaphoreType.DMA,
        pltpu.SemaphoreType.DMA,
        pltpu.SemaphoreType.DMA,
    ],
)
def _embed(labels_hbm, table_hbm, out_hbm, idx_v, tab_v, rows_v, *sems):
    lsem = sems[:4]
    gsem = sems[4:8]
    wsem = sems[8:]
    wid = lax.axis_index("s") * _NC + lax.axis_index("c")
    base = wid * _BPW

    lcp = []
    for j in range(_NCH):
        lcp.append(pltpu.async_copy(
            labels_hbm.at[wid].at[j], idx_v.at[j], lsem[j]))

    @pl.when(lax.axis_index("s") == 0)
    def _():
        pltpu.sync_copy(table_hbm, tab_v)

    plsc.subcore_barrier()

    gcp = []
    for j in range(_NCH):
        lcp[j].wait()
        gcp.append(pltpu.async_copy(
            tab_v.at[idx_v.at[j]], rows_v.at[pl.ds(j * _CH, _CH)], gsem[j]))
    wcp = []
    for j in range(_NCH):
        gcp[j].wait()
        wcp.append(pltpu.async_copy(
            rows_v.at[pl.ds(j * _CH, _CH)],
            out_hbm.at[pl.ds(base + j * _CH, _CH)], wsem[j]))
    for j in range(_NCH):
        wcp[j].wait()


def kernel(labels, table):
    out = _embed(labels.astype(jnp.int32).reshape(_NW, _NCH, _CH), table)
    return out[:, None, :]

# --- scband reference (transcript-rebuilt; emitter-appended) ---
"""Pipeline reference for scband-advantage-embedding-70420283785446 (READ-ONLY COPY).

The authoritative reference and input builder live on the scoring server;
editing this copy changes nothing except your own understanding.
"""

import jax, jax.numpy as jnp
import numpy as np

HIDDEN_SIZE = 128
BATCH = 16384

def setup_inputs(seed: int = 0) -> dict:
    key = jax.random.key(seed)
    k1, k2 = jax.random.split(key)
    labels = jax.random.randint(k1, (BATCH,), 0, 2, dtype=jnp.int64)
    # nn.Embedding default init: N(0, 1)
    table = jax.random.normal(k2, (2, HIDDEN_SIZE), dtype=jnp.float32)
    return {"labels": labels, "table": table}

def reference(labels, table):
    # embedding lookup -> (B, hidden) then unsqueeze(1) -> (B, 1, hidden)
    emb = jnp.take(table, labels, axis=0)
    return emb[:, None, :]

if __name__ == "__main__":
    import jax
    _d = setup_inputs()
    print(jax.jit(kernel)(*tuple(_d.values())))

</pallas_src>

<mosaic_0001>
#map = affine_map<(d0, d1) -> (0, 0, 0)>
#map1 = affine_map<(d0, d1) -> (0, 0)>
module attributes {stable_mosaic.version = 14 : i64} {
  func.func @_embed(%arg0: i32, %arg1: i32, %arg2: memref<32x4x128xi32, #tpu.memory_space<hbm>>, %arg3: memref<2x128xf32, #tpu.memory_space<hbm>>, %arg4: memref<16384x128xf32, #tpu.memory_space<hbm>>, %arg5: memref<4x128xi32, #tpu.memory_space<vmem>>, %arg6: memref<2x128xf32, #tpu.memory_space<vmem_shared>>, %arg7: memref<512x128xf32, #tpu.memory_space<vmem>>, %arg8: memref<!tpu.dma_semaphore, #tpu.memory_space<semaphore_mem>>, %arg9: memref<!tpu.dma_semaphore, #tpu.memory_space<semaphore_mem>>, %arg10: memref<!tpu.dma_semaphore, #tpu.memory_space<semaphore_mem>>, %arg11: memref<!tpu.dma_semaphore, #tpu.memory_space<semaphore_mem>>, %arg12: memref<!tpu.dma_semaphore, #tpu.memory_space<semaphore_mem>>, %arg13: memref<!tpu.dma_semaphore, #tpu.memory_space<semaphore_mem>>, %arg14: memref<!tpu.dma_semaphore, #tpu.memory_space<semaphore_mem>>, %arg15: memref<!tpu.dma_semaphore, #tpu.memory_space<semaphore_mem>>, %arg16: memref<!tpu.dma_semaphore, #tpu.memory_space<semaphore_mem>>, %arg17: memref<!tpu.dma_semaphore, #tpu.memory_space<semaphore_mem>>, %arg18: memref<!tpu.dma_semaphore, #tpu.memory_space<semaphore_mem>>, %arg19: memref<!tpu.dma_semaphore, #tpu.memory_space<semaphore_mem>>) attributes {dimension_semantics = [#tpu.dimension_semantics<core_parallel>, #tpu.dimension_semantics<subcore_parallel>], iteration_bounds = array<i64: 2, 16>, scalar_prefetch = 0 : i64, scratch_operands = 15 : i64, tpu.core_type = #tpu.core_type<sc_vector_subcore>, window_params = [{transform_indices = #map}, {transform_indices = #map1}, {transform_indices = #map1}]} {
    %mul3A = arith.constant 2 : i32
    %mul3A_0 = arith.muli %arg1, %mul3A : i32
    %add3A = arith.addi %mul3A_0, %arg0 : i32
    %mul3A_1 = arith.constant 512 : i32
    %mul3A_2 = arith.muli %add3A, %mul3A_1 : i32
    %dma_start3A = arith.constant 0 : i32
    %dma_start3A_3 = arith.constant 0 : i32
    %dma_start3A_4 = arith.constant 0 : i32
    %dma_start3A_5 = tpu.memref_slice %arg5[%dma_start3A_3, %dma_start3A_4] : memref<4x128xi32, #tpu.memory_space<vmem>> -> memref<1x128xi32, #tpu.memory_space<vmem>>
    %dma_start3A_6 = tpu.memref_squeeze %dma_start3A_5 : memref<1x128xi32, #tpu.memory_space<vmem>> -> memref<128xi32, #tpu.memory_space<vmem>>
    %dma_start3A_7 = arith.constant 0 : i32
    %dma_start3A_8 = arith.constant 0 : i32
    %dma_start3A_9 = tpu.memref_slice %arg2[%add3A, %dma_start3A_7, %dma_start3A_8] : memref<32x4x128xi32, #tpu.memory_space<hbm>> -> memref<1x4x128xi32, #tpu.memory_space<hbm>>
    %dma_start3A_10 = tpu.memref_squeeze %dma_start3A_9 : memref<1x4x128xi32, #tpu.memory_space<hbm>> -> memref<4x128xi32, #tpu.memory_space<hbm>>
    %dma_start3A_11 = arith.constant 0 : i32
    %dma_start3A_12 = tpu.memref_slice %dma_start3A_10[%dma_start3A, %dma_start3A_11] : memref<4x128xi32, #tpu.memory_space<hbm>> -> memref<1x128xi32, #tpu.memory_space<hbm>>
    %dma_start3A_13 = tpu.memref_squeeze %dma_start3A_12 : memref<1x128xi32, #tpu.memory_space<hbm>> -> memref<128xi32, #tpu.memory_space<hbm>>
    %dma_start3A_14 = arith.constant 0 : i32
    %dma_start3A_15 = tpu.memref_slice %arg5[%dma_start3A_3, %dma_start3A_14] : memref<4x128xi32, #tpu.memory_space<vmem>> -> memref<1x128xi32, #tpu.memory_space<vmem>>
    %dma_start3A_16 = tpu.memref_squeeze %dma_start3A_15 : memref<1x128xi32, #tpu.memory_space<vmem>> -> memref<128xi32, #tpu.memory_space<vmem>>
    %dma_start3A_17 = arith.constant 0 : i32
    %dma_start3A_18 = arith.constant 0 : i32
    %dma_start3A_19 = tpu.memref_slice %arg2[%add3A, %dma_start3A_17, %dma_start3A_18] : memref<32x4x128xi32, #tpu.memory_space<hbm>> -> memref<1x4x128xi32, #tpu.memory_space<hbm>>
    %dma_start3A_20 = tpu.memref_squeeze %dma_start3A_19 : memref<1x4x128xi32, #tpu.memory_space<hbm>> -> memref<4x128xi32, #tpu.memory_space<hbm>>
    %dma_start3A_21 = arith.constant 0 : i32
    %dma_start3A_22 = tpu.memref_slice %dma_start3A_20[%dma_start3A, %dma_start3A_21] : memref<4x128xi32, #tpu.memory_space<hbm>> -> memref<1x128xi32, #tpu.memory_space<hbm>>
    %dma_start3A_23 = tpu.memref_squeeze %dma_start3A_22 : memref<1x128xi32, #tpu.memory_space<hbm>> -> memref<128xi32, #tpu.memory_space<hbm>>
    tpu.enqueue_dma source(%dma_start3A_23 : memref<128xi32, #tpu.memory_space<hbm>>) target(%dma_start3A_16 : memref<128xi32, #tpu.memory_space<vmem>>) target_semaphore(%arg8 : memref<!tpu.dma_semaphore, #tpu.memory_space<semaphore_mem>>)
    %dma_start3A_24 = arith.constant 1 : i32
    %dma_start3A_25 = arith.constant 1 : i32
    %dma_start3A_26 = arith.constant 0 : i32
    %dma_start3A_27 = tpu.memref_slice %arg5[%dma_start3A_25, %dma_start3A_26] : memref<4x128xi32, #tpu.memory_space<vmem>> -> memref<1x128xi32, #tpu.memory_space<vmem>>
    %dma_start3A_28 = tpu.memref_squeeze %dma_start3A_27 : memref<1x128xi32, #tpu.memory_space<vmem>> -> memref<128xi32, #tpu.memory_space<vmem>>
    %dma_start3A_29 = arith.constant 0 : i32
    %dma_start3A_30 = arith.constant 0 : i32
    %dma_start3A_31 = tpu.memref_slice %arg2[%add3A, %dma_start3A_29, %dma_start3A_30] : memref<32x4x128xi32, #tpu.memory_space<hbm>> -> memref<1x4x128xi32, #tpu.memory_space<hbm>>
    %dma_start3A_32 = tpu.memref_squeeze %dma_start3A_31 : memref<1x4x128xi32, #tpu.memory_space<hbm>> -> memref<4x128xi32, #tpu.memory_space<hbm>>
    %dma_start3A_33 = arith.constant 0 : i32
    %dma_start3A_34 = tpu.memref_slice %dma_start3A_32[%dma_start3A_24, %dma_start3A_33] : memref<4x128xi32, #tpu.memory_space<hbm>> -> memref<1x128xi32, #tpu.memory_space<hbm>>
    %dma_start3A_35 = tpu.memref_squeeze %dma_start3A_34 : memref<1x128xi32, #tpu.memory_space<hbm>> -> memref<128xi32, #tpu.memory_space<hbm>>
    %dma_start3A_36 = arith.constant 0 : i32
    %dma_start3A_37 = tpu.memref_slice %arg5[%dma_start3A_25, %dma_start3A_36] : memref<4x128xi32, #tpu.memory_space<vmem>> -> memref<1x128xi32, #tpu.memory_space<vmem>>
    %dma_start3A_38 = tpu.memref_squeeze %dma_start3A_37 : memref<1x128xi32, #tpu.memory_space<vmem>> -> memref<128xi32, #tpu.memory_space<vmem>>
    %dma_start3A_39 = arith.constant 0 : i32
    %dma_start3A_40 = arith.constant 0 : i32
    %dma_start3A_41 = tpu.memref_slice %arg2[%add3A, %dma_start3A_39, %dma_start3A_40] : memref<32x4x128xi32, #tpu.memory_space<hbm>> -> memref<1x4x128xi32, #tpu.memory_space<hbm>>
    %dma_start3A_42 = tpu.memref_squeeze %dma_start3A_41 : memref<1x4x128xi32, #tpu.memory_space<hbm>> -> memref<4x128xi32, #tpu.memory_space<hbm>>
    %dma_start3A_43 = arith.constant 0 : i32
    %dma_start3A_44 = tpu.memref_slice %dma_start3A_42[%dma_start3A_24, %dma_start3A_43] : memref<4x128xi32, #tpu.memory_space<hbm>> -> memref<1x128xi32, #tpu.memory_space<hbm>>
    %dma_start3A_45 = tpu.memref_squeeze %dma_start3A_44 : memref<1x128xi32, #tpu.memory_space<hbm>> -> memref<128xi32, #tpu.memory_space<hbm>>
    tpu.enqueue_dma source(%dma_start3A_45 : memref<128xi32, #tpu.memory_space<hbm>>) target(%dma_start3A_38 : memref<128xi32, #tpu.memory_space<vmem>>) target_semaphore(%arg9 : memref<!tpu.dma_semaphore, #tpu.memory_space<semaphore_mem>>)
    %dma_start3A_46 = arith.constant 2 : i32
    %dma_start3A_47 = arith.constant 2 : i32
    %dma_start3A_48 = arith.constant 0 : i32
    %dma_start3A_49 = tpu.memref_slice %arg5[%dma_start3A_47, %dma_start3A_48] : memref<4x128xi32, #tpu.memory_space<vmem>> -> memref<1x128xi32, #tpu.memory_space<vmem>>
    %dma_start3A_50 = tpu.memref_squeeze %dma_start3A_49 : memref<1x128xi32, #tpu.memory_space<vmem>> -> memref<128xi32, #tpu.memory_space<vmem>>
    %dma_start3A_51 = arith.constant 0 : i32
    %dma_start3A_52 = arith.constant 0 : i32
    %dma_start3A_53 = tpu.memref_slice %arg2[%add3A, %dma_start3A_51, %dma_start3A_52] : memref<32x4x128xi32, #tpu.memory_space<hbm>> -> memref<1x4x128xi32, #tpu.memory_space<hbm>>
    %dma_start3A_54 = tpu.memref_squeeze %dma_start3A_53 : memref<1x4x128xi32, #tpu.memory_space<hbm>> -> memref<4x128xi32, #tpu.memory_space<hbm>>
    %dma_start3A_55 = arith.constant 0 : i32
    %dma_start3A_56 = tpu.memref_slice %dma_start3A_54[%dma_start3A_46, %dma_start3A_55] : memref<4x128xi32, #tpu.memory_space<hbm>> -> memref<1x128xi32, #tpu.memory_space<hbm>>
    %dma_start3A_57 = tpu.memref_squeeze %dma_start3A_56 : memref<1x128xi32, #tpu.memory_space<hbm>> -> memref<128xi32, #tpu.memory_space<hbm>>
    %dma_start3A_58 = arith.constant 0 : i32
    %dma_start3A_59 = tpu.memref_slice %arg5[%dma_start3A_47, %dma_start3A_58] : memref<4x128xi32, #tpu.memory_space<vmem>> -> memref<1x128xi32, #tpu.memory_space<vmem>>
    %dma_start3A_60 = tpu.memref_squeeze %dma_start3A_59 : memref<1x128xi32, #tpu.memory_space<vmem>> -> memref<128xi32, #tpu.memory_space<vmem>>
    %dma_start3A_61 = arith.constant 0 : i32
    %dma_start3A_62 = arith.constant 0 : i32
    %dma_start3A_63 = tpu.memref_slice %arg2[%add3A, %dma_start3A_61, %dma_start3A_62] : memref<32x4x128xi32, #tpu.memory_space<hbm>> -> memref<1x4x128xi32, #tpu.memory_space<hbm>>
    %dma_start3A_64 = tpu.memref_squeeze %dma_start3A_63 : memref<1x4x128xi32, #tpu.memory_space<hbm>> -> memref<4x128xi32, #tpu.memory_space<hbm>>
    %dma_start3A_65 = arith.constant 0 : i32
    %dma_start3A_66 = tpu.memref_slice %dma_start3A_64[%dma_start3A_46, %dma_start3A_65] : memref<4x128xi32, #tpu.memory_space<hbm>> -> memref<1x128xi32, #tpu.memory_space<hbm>>
    %dma_start3A_67 = tpu.memref_squeeze %dma_start3A_66 : memref<1x128xi32, #tpu.memory_space<hbm>> -> memref<128xi32, #tpu.memory_space<hbm>>
    tpu.enqueue_dma source(%dma_start3A_67 : memref<128xi32, #tpu.memory_space<hbm>>) target(%dma_start3A_60 : memref<128xi32, #tpu.memory_space<vmem>>) target_semaphore(%arg10 : memref<!tpu.dma_semaphore, #tpu.memory_space<semaphore_mem>>)
    %dma_start3A_68 = arith.constant 3 : i32
    %dma_start3A_69 = arith.constant 3 : i32
    %dma_start3A_70 = arith.constant 0 : i32
    %dma_start3A_71 = tpu.memref_slice %arg5[%dma_start3A_69, %dma_start3A_70] : memref<4x128xi32, #tpu.memory_space<vmem>> -> memref<1x128xi32, #tpu.memory_space<vmem>>
    %dma_start3A_72 = tpu.memref_squeeze %dma_start3A_71 : memref<1x128xi32, #tpu.memory_space<vmem>> -> memref<128xi32, #tpu.memory_space<vmem>>
    %dma_start3A_73 = arith.constant 0 : i32
    %dma_start3A_74 = arith.constant 0 : i32
    %dma_start3A_75 = tpu.memref_slice %arg2[%add3A, %dma_start3A_73, %dma_start3A_74] : memref<32x4x128xi32, #tpu.memory_space<hbm>> -> memref<1x4x128xi32, #tpu.memory_space<hbm>>
    %dma_start3A_76 = tpu.memref_squeeze %dma_start3A_75 : memref<1x4x128xi32, #tpu.memory_space<hbm>> -> memref<4x128xi32, #tpu.memory_space<hbm>>
    %dma_start3A_77 = arith.constant 0 : i32
    %dma_start3A_78 = tpu.memref_slice %dma_start3A_76[%dma_start3A_68, %dma_start3A_77] : memref<4x128xi32, #tpu.memory_space<hbm>> -> memref<1x128xi32, #tpu.memory_space<hbm>>
    %dma_start3A_79 = tpu.memref_squeeze %dma_start3A_78 : memref<1x128xi32, #tpu.memory_space<hbm>> -> memref<128xi32, #tpu.memory_space<hbm>>
    %dma_start3A_80 = arith.constant 0 : i32
    %dma_start3A_81 = tpu.memref_slice %arg5[%dma_start3A_69, %dma_start3A_80] : memref<4x128xi32, #tpu.memory_space<vmem>> -> memref<1x128xi32, #tpu.memory_space<vmem>>
    %dma_start3A_82 = tpu.memref_squeeze %dma_start3A_81 : memref<1x128xi32, #tpu.memory_space<vmem>> -> memref<128xi32, #tpu.memory_space<vmem>>
    %dma_start3A_83 = arith.constant 0 : i32
    %dma_start3A_84 = arith.constant 0 : i32
    %dma_start3A_85 = tpu.memref_slice %arg2[%add3A, %dma_start3A_83, %dma_start3A_84] : memref<32x4x128xi32, #tpu.memory_space<hbm>> -> memref<1x4x128xi32, #tpu.memory_space<hbm>>
    %dma_start3A_86 = tpu.memref_squeeze %dma_start3A_85 : memref<1x4x128xi32, #tpu.memory_space<hbm>> -> memref<4x128xi32, #tpu.memory_space<hbm>>
    %dma_start3A_87 = arith.constant 0 : i32
    %dma_start3A_88 = tpu.memref_slice %dma_start3A_86[%dma_start3A_68, %dma_start3A_87] : memref<4x128xi32, #tpu.memory_space<hbm>> -> memref<1x128xi32, #tpu.memory_space<hbm>>
    %dma_start3A_89 = tpu.memref_squeeze %dma_start3A_88 : memref<1x128xi32, #tpu.memory_space<hbm>> -> memref<128xi32, #tpu.memory_space<hbm>>
    tpu.enqueue_dma source(%dma_start3A_89 : memref<128xi32, #tpu.memory_space<hbm>>) target(%dma_start3A_82 : memref<128xi32, #tpu.memory_space<vmem>>) target_semaphore(%arg11 : memref<!tpu.dma_semaphore, #tpu.memory_space<semaphore_mem>>)
    %eq3A = arith.constant 0 : i32
    %eq3A_90 = arith.cmpi eq, %arg1, %eq3A : i32
    %convert_element_type3A = arith.extui %eq3A_90 : i1 to i32
    %cond3A = arith.constant 0 : i32
    %cond3A_91 = arith.cmpi ne, %convert_element_type3A, %cond3A : i32
    scf.if %cond3A_91 {
      "tpu.region"() ({
        %run_scoped3A = tpu.sem_alloc : memref<!tpu.dma_semaphore, #tpu.memory_space<semaphore_mem>>
        tpu.enqueue_dma source(%arg3 : memref<2x128xf32, #tpu.memory_space<hbm>>) target(%arg6 : memref<2x128xf32, #tpu.memory_space<vmem_shared>>) target_semaphore(%run_scoped3A : memref<!tpu.dma_semaphore, #tpu.memory_space<semaphore_mem>>)
        tpu.wait_dma2 semaphore(%run_scoped3A : memref<!tpu.dma_semaphore, #tpu.memory_space<semaphore_mem>>) src(%arg3 : memref<2x128xf32, #tpu.memory_space<hbm>>) dst(%arg6 : memref<2x128xf32, #tpu.memory_space<vmem_shared>>)
        tpu.yield
      }) : () -> ()
    } else {
    }
    %barrier3A = arith.constant 0 : index
    tpu.barrier barrier_id(%barrier3A)
    %dma_wait3A = arith.constant 0 : i32
    %dma_wait3A_92 = arith.constant 0 : i32
    %dma_wait3A_93 = arith.constant 0 : i32
    %dma_wait3A_94 = tpu.memref_slice %arg5[%dma_wait3A_92, %dma_wait3A_93] : memref<4x128xi32, #tpu.memory_space<vmem>> -> memref<1x128xi32, #tpu.memory_space<vmem>>
    %dma_wait3A_95 = tpu.memref_squeeze %dma_wait3A_94 : memref<1x128xi32, #tpu.memory_space<vmem>> -> memref<128xi32, #tpu.memory_space<vmem>>
    %dma_wait3A_96 = arith.constant 0 : i32
    %dma_wait3A_97 = arith.constant 0 : i32
    %dma_wait3A_98 = tpu.memref_slice %arg2[%add3A, %dma_wait3A_96, %dma_wait3A_97] : memref<32x4x128xi32, #tpu.memory_space<hbm>> -> memref<1x4x128xi32, #tpu.memory_space<hbm>>
    %dma_wait3A_99 = tpu.memref_squeeze %dma_wait3A_98 : memref<1x4x128xi32, #tpu.memory_space<hbm>> -> memref<4x128xi32, #tpu.memory_space<hbm>>
    %dma_wait3A_100 = arith.constant 0 : i32
    %dma_wait3A_101 = tpu.memref_slice %dma_wait3A_99[%dma_wait3A, %dma_wait3A_100] : memref<4x128xi32, #tpu.memory_space<hbm>> -> memref<1x128xi32, #tpu.memory_space<hbm>>
    %dma_wait3A_102 = tpu.memref_squeeze %dma_wait3A_101 : memref<1x128xi32, #tpu.memory_space<hbm>> -> memref<128xi32, #tpu.memory_space<hbm>>
    %dma_wait3A_103 = arith.constant 0 : i32
    %dma_wait3A_104 = tpu.memref_slice %arg5[%dma_wait3A_92, %dma_wait3A_103] : memref<4x128xi32, #tpu.memory_space<vmem>> -> memref<1x128xi32, #tpu.memory_space<vmem>>
    %dma_wait3A_105 = tpu.memref_squeeze %dma_wait3A_104 : memref<1x128xi32, #tpu.memory_space<vmem>> -> memref<128xi32, #tpu.memory_space<vmem>>
    %dma_wait3A_106 = arith.constant 0 : i32
    %dma_wait3A_107 = arith.constant 0 : i32
    %dma_wait3A_108 = tpu.memref_slice %arg2[%add3A, %dma_wait3A_106, %dma_wait3A_107] : memref<32x4x128xi32, #tpu.memory_space<hbm>> -> memref<1x4x128xi32, #tpu.memory_space<hbm>>
    %dma_wait3A_109 = tpu.memref_squeeze %dma_wait3A_108 : memref<1x4x128xi32, #tpu.memory_space<hbm>> -> memref<4x128xi32, #tpu.memory_space<hbm>>
    %dma_wait3A_110 = arith.constant 0 : i32
    %dma_wait3A_111 = tpu.memref_slice %dma_wait3A_109[%dma_wait3A, %dma_wait3A_110] : memref<4x128xi32, #tpu.memory_space<hbm>> -> memref<1x128xi32, #tpu.memory_space<hbm>>
    %dma_wait3A_112 = tpu.memref_squeeze %dma_wait3A_111 : memref<1x128xi32, #tpu.memory_space<hbm>> -> memref<128xi32, #tpu.memory_space<hbm>>
    tpu.wait_dma2 semaphore(%arg8 : memref<!tpu.dma_semaphore, #tpu.memory_space<semaphore_mem>>) src(%dma_wait3A_112 : memref<128xi32, #tpu.memory_space<hbm>>) dst(%dma_wait3A_105 : memref<128xi32, #tpu.memory_space<vmem>>)
    %dma_start3A_113 = arith.constant 0 : i32
    %dma_start3A_114 = arith.constant 0 : i32
    %dma_start3A_115 = arith.constant 0 : i32
    %dma_start3A_116 = tpu.memref_slice %arg7[%dma_start3A_114, %dma_start3A_115] : memref<512x128xf32, #tpu.memory_space<vmem>> -> memref<128x128xf32, #tpu.memory_space<vmem>>
    %dma_start3A_117 = arith.constant 0 : i32
    %dma_start3A_118 = tpu.memref_slice %arg5[%dma_start3A_113, %dma_start3A_117] : memref<4x128xi32, #tpu.memory_space<vmem>> -> memref<1x128xi32, #tpu.memory_space<vmem>>
    %dma_start3A_119 = tpu.memref_squeeze %dma_start3A_118 : memref<1x128xi32, #tpu.memory_space<vmem>> -> memref<128xi32, #tpu.memory_space<vmem>>
    %dma_start3A_120 = arith.constant 0 : i32
    %dma_start3A_121 = arith.constant 0 : i32
    %dma_start3A_122 = tpu.memref_slice %arg6[%dma_start3A_120, %dma_start3A_121] : memref<2x128xf32, #tpu.memory_space<vmem_shared>> -> memref<2x128xf32, #tpu.memory_space<vmem_shared>>
    tpu.enqueue_indirect_dma source(%dma_start3A_122 : memref<2x128xf32, #tpu.memory_space<vmem_shared>>) target(%dma_start3A_116 : memref<128x128xf32, #tpu.memory_space<vmem>>) offsets(%dma_start3A_119 : memref<128xi32, #tpu.memory_space<vmem>>) semaphore(%arg12 : memref<!tpu.dma_semaphore, #tpu.memory_space<semaphore_mem>>)
    %dma_wait3A_123 = arith.constant 1 : i32
    %dma_wait3A_124 = arith.constant 1 : i32
    %dma_wait3A_125 = arith.constant 0 : i32
    %dma_wait3A_126 = tpu.memref_slice %arg5[%dma_wait3A_124, %dma_wait3A_125] : memref<4x128xi32, #tpu.memory_space<vmem>> -> memref<1x128xi32, #tpu.memory_space<vmem>>
    %dma_wait3A_127 = tpu.memref_squeeze %dma_wait3A_126 : memref<1x128xi32, #tpu.memory_space<vmem>> -> memref<128xi32, #tpu.memory_space<vmem>>
    %dma_wait3A_128 = arith.constant 0 : i32
    %dma_wait3A_129 = arith.constant 0 : i32
    %dma_wait3A_130 = tpu.memref_slice %arg2[%add3A, %dma_wait3A_128, %dma_wait3A_129] : memref<32x4x128xi32, #tpu.memory_space<hbm>> -> memref<1x4x128xi32, #tpu.memory_space<hbm>>
    %dma_wait3A_131 = tpu.memref_squeeze %dma_wait3A_130 : memref<1x4x128xi32, #tpu.memory_space<hbm>> -> memref<4x128xi32, #tpu.memory_space<hbm>>
    %dma_wait3A_132 = arith.constant 0 : i32
    %dma_wait3A_133 = tpu.memref_slice %dma_wait3A_131[%dma_wait3A_123, %dma_wait3A_132] : memref<4x128xi32, #tpu.memory_space<hbm>> -> memref<1x128xi32, #tpu.memory_space<hbm>>
    %dma_wait3A_134 = tpu.memref_squeeze %dma_wait3A_133 : memref<1x128xi32, #tpu.memory_space<hbm>> -> memref<128xi32, #tpu.memory_space<hbm>>
    %dma_wait3A_135 = arith.constant 0 : i32
    %dma_wait3A_136 = tpu.memref_slice %arg5[%dma_wait3A_124, %dma_wait3A_135] : memref<4x128xi32, #tpu.memory_space<vmem>> -> memref<1x128xi32, #tpu.memory_space<vmem>>
    %dma_wait3A_137 = tpu.memref_squeeze %dma_wait3A_136 : memref<1x128xi32, #tpu.memory_space<vmem>> -> memref<128xi32, #tpu.memory_space<vmem>>
    %dma_wait3A_138 = arith.constant 0 : i32
    %dma_wait3A_139 = arith.constant 0 : i32
    %dma_wait3A_140 = tpu.memref_slice %arg2[%add3A, %dma_wait3A_138, %dma_wait3A_139] : memref<32x4x128xi32, #tpu.memory_space<hbm>> -> memref<1x4x128xi32, #tpu.memory_space<hbm>>
    %dma_wait3A_141 = tpu.memref_squeeze %dma_wait3A_140 : memref<1x4x128xi32, #tpu.memory_space<hbm>> -> memref<4x128xi32, #tpu.memory_space<hbm>>
    %dma_wait3A_142 = arith.constant 0 : i32
    %dma_wait3A_143 = tpu.memref_slice %dma_wait3A_141[%dma_wait3A_123, %dma_wait3A_142] : memref<4x128xi32, #tpu.memory_space<hbm>> -> memref<1x128xi32, #tpu.memory_space<hbm>>
    %dma_wait3A_144 = tpu.memref_squeeze %dma_wait3A_143 : memref<1x128xi32, #tpu.memory_space<hbm>> -> memref<128xi32, #tpu.memory_space<hbm>>
    tpu.wait_dma2 semaphore(%arg9 : memref<!tpu.dma_semaphore, #tpu.memory_space<semaphore_mem>>) src(%dma_wait3A_144 : memref<128xi32, #tpu.memory_space<hbm>>) dst(%dma_wait3A_137 : memref<128xi32, #tpu.memory_space<vmem>>)
    %dma_start3A_145 = arith.constant 1 : i32
    %dma_start3A_146 = arith.constant 128 : i32
    %dma_start3A_147 = arith.constant 0 : i32
    %dma_start3A_148 = tpu.memref_slice %arg7[%dma_start3A_146, %dma_start3A_147] : memref<512x128xf32, #tpu.memory_space<vmem>> -> memref<128x128xf32, #tpu.memory_space<vmem>>
    %dma_start3A_149 = arith.constant 0 : i32
    %dma_start3A_150 = tpu.memref_slice %arg5[%dma_start3A_145, %dma_start3A_149] : memref<4x128xi32, #tpu.memory_space<vmem>> -> memref<1x128xi32, #tpu.memory_space<vmem>>
    %dma_start3A_151 = tpu.memref_squeeze %dma_start3A_150 : memref<1x128xi32, #tpu.memory_space<vmem>> -> memref<128xi32, #tpu.memory_space<vmem>>
    %dma_start3A_152 = arith.constant 0 : i32
    %dma_start3A_153 = arith.constant 0 : i32
    %dma_start3A_154 = tpu.memref_slice %arg6[%dma_start3A_152, %dma_start3A_153] : memref<2x128xf32, #tpu.memory_space<vmem_shared>> -> memref<2x128xf32, #tpu.memory_space<vmem_shared>>
    tpu.enqueue_indirect_dma source(%dma_start3A_154 : memref<2x128xf32, #tpu.memory_space<vmem_shared>>) target(%dma_start3A_148 : memref<128x128xf32, #tpu.memory_space<vmem>>) offsets(%dma_start3A_151 : memref<128xi32, #tpu.memory_space<vmem>>) semaphore(%arg13 : memref<!tpu.dma_semaphore, #tpu.memory_space<semaphore_mem>>)
    %dma_wait3A_155 = arith.constant 2 : i32
    %dma_wait3A_156 = arith.constant 2 : i32
    %dma_wait3A_157 = arith.constant 0 : i32
    %dma_wait3A_158 = tpu.memref_slice %arg5[%dma_wait3A_156, %dma_wait3A_157] : memref<4x128xi32, #tpu.memory_space<vmem>> -> memref<1x128xi32, #tpu.memory_space<vmem>>
    %dma_wait3A_159 = tpu.memref_squeeze %dma_wait3A_158 : memref<1x128xi32, #tpu.memory_space<vmem>> -> memref<128xi32, #tpu.memory_space<vmem>>
    %dma_wait3A_160 = arith.constant 0 : i32
    %dma_wait3A_161 = arith.constant 0 : i32
    %dma_wait3A_162 = tpu.memref_slice %arg2[%add3A, %dma_wait3A_160, %dma_wait3A_161] : memref<32x4x128xi32, #tpu.memory_space<hbm>> -> memref<1x4x128xi32, #tpu.memory_space<hbm>>
    %dma_wait3A_163 = tpu.memref_squeeze %dma_wait3A_162 : memref<1x4x128xi32, #tpu.memory_space<hbm>> -> memref<4x128xi32, #tpu.memory_space<hbm>>
    %dma_wait3A_164 = arith.constant 0 : i32
    %dma_wait3A_165 = tpu.memref_slice %dma_wait3A_163[%dma_wait3A_155, %dma_wait3A_164] : memref<4x128xi32, #tpu.memory_space<hbm>> -> memref<1x128xi32, #tpu.memory_space<hbm>>
    %dma_wait3A_166 = tpu.memref_squeeze %dma_wait3A_165 : memref<1x128xi32, #tpu.memory_space<hbm>> -> memref<128xi32, #tpu.memory_space<hbm>>
    %dma_wait3A_167 = arith.constant 0 : i32
    %dma_wait3A_168 = tpu.memref_slice %arg5[%dma_wait3A_156, %dma_wait3A_167] : memref<4x128xi32, #tpu.memory_space<vmem>> -> memref<1x128xi32, #tpu.memory_space<vmem>>
    %dma_wait3A_169 = tpu.memref_squeeze %dma_wait3A_168 : memref<1x128xi32, #tpu.memory_space<vmem>> -> memref<128xi32, #tpu.memory_space<vmem>>
    %dma_wait3A_170 = arith.constant 0 : i32
    %dma_wait3A_171 = arith.constant 0 : i32
    %dma_wait3A_172 = tpu.memref_slice %arg2[%add3A, %dma_wait3A_170, %dma_wait3A_171] : memref<32x4x128xi32, #tpu.memory_space<hbm>> -> memref<1x4x128xi32, #tpu.memory_space<hbm>>
    %dma_wait3A_173 = tpu.memref_squeeze %dma_wait3A_172 : memref<1x4x128xi32, #tpu.memory_space<hbm>> -> memref<4x128xi32, #tpu.memory_space<hbm>>
    %dma_wait3A_174 = arith.constant 0 : i32
    %dma_wait3A_175 = tpu.memref_slice %dma_wait3A_173[%dma_wait3A_155, %dma_wait3A_174] : memref<4x128xi32, #tpu.memory_space<hbm>> -> memref<1x128xi32, #tpu.memory_space<hbm>>
    %dma_wait3A_176 = tpu.memref_squeeze %dma_wait3A_175 : memref<1x128xi32, #tpu.memory_space<hbm>> -> memref<128xi32, #tpu.memory_space<hbm>>
    tpu.wait_dma2 semaphore(%arg10 : memref<!tpu.dma_semaphore, #tpu.memory_space<semaphore_mem>>) src(%dma_wait3A_176 : memref<128xi32, #tpu.memory_space<hbm>>) dst(%dma_wait3A_169 : memref<128xi32, #tpu.memory_space<vmem>>)
    %dma_start3A_177 = arith.constant 2 : i32
    %dma_start3A_178 = arith.constant 256 : i32
    %dma_start3A_179 = arith.constant 0 : i32
    %dma_start3A_180 = tpu.memref_slice %arg7[%dma_start3A_178, %dma_start3A_179] : memref<512x128xf32, #tpu.memory_space<vmem>> -> memref<128x128xf32, #tpu.memory_space<vmem>>
    %dma_start3A_181 = arith.constant 0 : i32
    %dma_start3A_182 = tpu.memref_slice %arg5[%dma_start3A_177, %dma_start3A_181] : memref<4x128xi32, #tpu.memory_space<vmem>> -> memref<1x128xi32, #tpu.memory_space<vmem>>
    %dma_start3A_183 = tpu.memref_squeeze %dma_start3A_182 : memref<1x128xi32, #tpu.memory_space<vmem>> -> memref<128xi32, #tpu.memory_space<vmem>>
    %dma_start3A_184 = arith.constant 0 : i32
    %dma_start3A_185 = arith.constant 0 : i32
    %dma_start3A_186 = tpu.memref_slice %arg6[%dma_start3A_184, %dma_start3A_185] : memref<2x128xf32, #tpu.memory_space<vmem_shared>> -> memref<2x128xf32, #tpu.memory_space<vmem_shared>>
    tpu.enqueue_indirect_dma source(%dma_start3A_186 : memref<2x128xf32, #tpu.memory_space<vmem_shared>>) target(%dma_start3A_180 : memref<128x128xf32, #tpu.memory_space<vmem>>) offsets(%dma_start3A_183 : memref<128xi32, #tpu.memory_space<vmem>>) semaphore(%arg14 : memref<!tpu.dma_semaphore, #tpu.memory_space<semaphore_mem>>)
    %dma_wait3A_187 = arith.constant 3 : i32
    %dma_wait3A_188 = arith.constant 3 : i32
    %dma_wait3A_189 = arith.constant 0 : i32
    %dma_wait3A_190 = tpu.memref_slice %arg5[%dma_wait3A_188, %dma_wait3A_189] : memref<4x128xi32, #tpu.memory_space<vmem>> -> memref<1x128xi32, #tpu.memory_space<vmem>>
    %dma_wait3A_191 = tpu.memref_squeeze %dma_wait3A_190 : memref<1x128xi32, #tpu.memory_space<vmem>> -> memref<128xi32, #tpu.memory_space<vmem>>
    %dma_wait3A_192 = arith.constant 0 : i32
    %dma_wait3A_193 = arith.constant 0 : i32
    %dma_wait3A_194 = tpu.memref_slice %arg2[%add3A, %dma_wait3A_192, %dma_wait3A_193] : memref<32x4x128xi32, #tpu.memory_space<hbm>> -> memref<1x4x128xi32, #tpu.memory_space<hbm>>
    %dma_wait3A_195 = tpu.memref_squeeze %dma_wait3A_194 : memref<1x4x128xi32, #tpu.memory_space<hbm>> -> memref<4x128xi32, #tpu.memory_space<hbm>>
    %dma_wait3A_196 = arith.constant 0 : i32
    %dma_wait3A_197 = tpu.memref_slice %dma_wait3A_195[%dma_wait3A_187, %dma_wait3A_196] : memref<4x128xi32, #tpu.memory_space<hbm>> -> memref<1x128xi32, #tpu.memory_space<hbm>>
    %dma_wait3A_198 = tpu.memref_squeeze %dma_wait3A_197 : memref<1x128xi32, #tpu.memory_space<hbm>> -> memref<128xi32, #tpu.memory_space<hbm>>
    %dma_wait3A_199 = arith.constant 0 : i32
    %dma_wait3A_200 = tpu.memref_slice %arg5[%dma_wait3A_188, %dma_wait3A_199] : memref<4x128xi32, #tpu.memory_space<vmem>> -> memref<1x128xi32, #tpu.memory_space<vmem>>
    %dma_wait3A_201 = tpu.memref_squeeze %dma_wait3A_200 : memref<1x128xi32, #tpu.memory_space<vmem>> -> memref<128xi32, #tpu.memory_space<vmem>>
    %dma_wait3A_202 = arith.constant 0 : i32
    %dma_wait3A_203 = arith.constant 0 : i32
    %dma_wait3A_204 = tpu.memref_slice %arg2[%add3A, %dma_wait3A_202, %dma_wait3A_203] : memref<32x4x128xi32, #tpu.memory_space<hbm>> -> memref<1x4x128xi32, #tpu.memory_space<hbm>>
    %dma_wait3A_205 = tpu.memref_squeeze %dma_wait3A_204 : memref<1x4x128xi32, #tpu.memory_space<hbm>> -> memref<4x128xi32, #tpu.memory_space<hbm>>
    %dma_wait3A_206 = arith.constant 0 : i32
    %dma_wait3A_207 = tpu.memref_slice %dma_wait3A_205[%dma_wait3A_187, %dma_wait3A_206] : memref<4x128xi32, #tpu.memory_space<hbm>> -> memref<1x128xi32, #tpu.memory_space<hbm>>
    %dma_wait3A_208 = tpu.memref_squeeze %dma_wait3A_207 : memref<1x128xi32, #tpu.memory_space<hbm>> -> memref<128xi32, #tpu.memory_space<hbm>>
    tpu.wait_dma2 semaphore(%arg11 : memref<!tpu.dma_semaphore, #tpu.memory_space<semaphore_mem>>) src(%dma_wait3A_208 : memref<128xi32, #tpu.memory_space<hbm>>) dst(%dma_wait3A_201 : memref<128xi32, #tpu.memory_space<vmem>>)
    %dma_start3A_209 = arith.constant 3 : i32
    %dma_start3A_210 = arith.constant 384 : i32
    %dma_start3A_211 = arith.constant 0 : i32
    %dma_start3A_212 = tpu.memref_slice %arg7[%dma_start3A_210, %dma_start3A_211] : memref<512x128xf32, #tpu.memory_space<vmem>> -> memref<128x128xf32, #tpu.memory_space<vmem>>
    %dma_start3A_213 = arith.constant 0 : i32
    %dma_start3A_214 = tpu.memref_slice %arg5[%dma_start3A_209, %dma_start3A_213] : memref<4x128xi32, #tpu.memory_space<vmem>> -> memref<1x128xi32, #tpu.memory_space<vmem>>
    %dma_start3A_215 = tpu.memref_squeeze %dma_start3A_214 : memref<1x128xi32, #tpu.memory_space<vmem>> -> memref<128xi32, #tpu.memory_space<vmem>>
    %dma_start3A_216 = arith.constant 0 : i32
    %dma_start3A_217 = arith.constant 0 : i32
    %dma_start3A_218 = tpu.memref_slice %arg6[%dma_start3A_216, %dma_start3A_217] : memref<2x128xf32, #tpu.memory_space<vmem_shared>> -> memref<2x128xf32, #tpu.memory_space<vmem_shared>>
    tpu.enqueue_indirect_dma source(%dma_start3A_218 : memref<2x128xf32, #tpu.memory_space<vmem_shared>>) target(%dma_start3A_212 : memref<128x128xf32, #tpu.memory_space<vmem>>) offsets(%dma_start3A_215 : memref<128xi32, #tpu.memory_space<vmem>>) semaphore(%arg15 : memref<!tpu.dma_semaphore, #tpu.memory_space<semaphore_mem>>)
    %dma_wait3A_219 = arith.constant 0 : i32
    %dma_wait3A_220 = arith.constant 0 : i32
    %dma_wait3A_221 = arith.constant 0 : i32
    %dma_wait3A_222 = tpu.memref_slice %arg7[%dma_wait3A_220, %dma_wait3A_221] : memref<512x128xf32, #tpu.memory_space<vmem>> -> memref<128x128xf32, #tpu.memory_space<vmem>>
    %dma_wait3A_223 = arith.constant 0 : i32
    %dma_wait3A_224 = tpu.memref_slice %arg5[%dma_wait3A_219, %dma_wait3A_223] : memref<4x128xi32, #tpu.memory_space<vmem>> -> memref<1x128xi32, #tpu.memory_space<vmem>>
    %dma_wait3A_225 = tpu.memref_squeeze %dma_wait3A_224 : memref<1x128xi32, #tpu.memory_space<vmem>> -> memref<128xi32, #tpu.memory_space<vmem>>
    %dma_wait3A_226 = arith.constant 0 : i32
    %dma_wait3A_227 = arith.constant 0 : i32
    %dma_wait3A_228 = tpu.memref_slice %arg6[%dma_wait3A_226, %dma_wait3A_227] : memref<2x128xf32, #tpu.memory_space<vmem_shared>> -> memref<2x128xf32, #tpu.memory_space<vmem_shared>>
    tpu.wait_indirect_dma semaphore(%arg12 : memref<!tpu.dma_semaphore, #tpu.memory_space<semaphore_mem>>) src(%dma_wait3A_228 : memref<2x128xf32, #tpu.memory_space<vmem_shared>>) dst(%dma_wait3A_222 : memref<128x128xf32, #tpu.memory_space<vmem>>)
    %add3A_229 = arith.constant 0 : i32
    %add3A_230 = arith.addi %mul3A_2, %add3A_229 : i32
    %dma_start3A_231 = arith.constant 0 : i32
    %dma_start3A_232 = arith.constant 0 : i32
    %dma_start3A_233 = tpu.memref_slice %arg7[%dma_start3A_231, %dma_start3A_232] : memref<512x128xf32, #tpu.memory_space<vmem>> -> memref<128x128xf32, #tpu.memory_space<vmem>>
    %dma_start3A_234 = arith.constant 0 : i32
    %dma_start3A_235 = tpu.memref_slice %arg4[%add3A_230, %dma_start3A_234] : memref<16384x128xf32, #tpu.memory_space<hbm>> -> memref<128x128xf32, #tpu.memory_space<hbm>>
    %dma_start3A_236 = arith.constant 0 : i32
    %dma_start3A_237 = tpu.memref_slice %arg4[%add3A_230, %dma_start3A_236] : memref<16384x128xf32, #tpu.memory_space<hbm>> -> memref<128x128xf32, #tpu.memory_space<hbm>>
    %dma_start3A_238 = arith.constant 0 : i32
    %dma_start3A_239 = arith.constant 0 : i32
    %dma_start3A_240 = tpu.memref_slice %arg7[%dma_start3A_238, %dma_start3A_239] : memref<512x128xf32, #tpu.memory_space<vmem>> -> memref<128x128xf32, #tpu.memory_space<vmem>>
    tpu.enqueue_dma source(%dma_start3A_240 : memref<128x128xf32, #tpu.memory_space<vmem>>) target(%dma_start3A_237 : memref<128x128xf32, #tpu.memory_space<hbm>>) target_semaphore(%arg16 : memref<!tpu.dma_semaphore, #tpu.memory_space<semaphore_mem>>)
    %dma_wait3A_241 = arith.constant 1 : i32
    %dma_wait3A_242 = arith.constant 128 : i32
    %dma_wait3A_243 = arith.constant 0 : i32
    %dma_wait3A_244 = tpu.memref_slice %arg7[%dma_wait3A_242, %dma_wait3A_243] : memref<512x128xf32, #tpu.memory_space<vmem>> -> memref<128x128xf32, #tpu.memory_space<vmem>>
    %dma_wait3A_245 = arith.constant 0 : i32
    %dma_wait3A_246 = tpu.memref_slice %arg5[%dma_wait3A_241, %dma_wait3A_245] : memref<4x128xi32, #tpu.memory_space<vmem>> -> memref<1x128xi32, #tpu.memory_space<vmem>>
    %dma_wait3A_247 = tpu.memref_squeeze %dma_wait3A_246 : memref<1x128xi32, #tpu.memory_space<vmem>> -> memref<128xi32, #tpu.memory_space<vmem>>
    %dma_wait3A_248 = arith.constant 0 : i32
    %dma_wait3A_249 = arith.constant 0 : i32
    %dma_wait3A_250 = tpu.memref_slice %arg6[%dma_wait3A_248, %dma_wait3A_249] : memref<2x128xf32, #tpu.memory_space<vmem_shared>> -> memref<2x128xf32, #tpu.memory_space<vmem_shared>>
    tpu.wait_indirect_dma semaphore(%arg13 : memref<!tpu.dma_semaphore, #tpu.memory_space<semaphore_mem>>) src(%dma_wait3A_250 : memref<2x128xf32, #tpu.memory_space<vmem_shared>>) dst(%dma_wait3A_244 : memref<128x128xf32, #tpu.memory_space<vmem>>)
    %add3A_251 = arith.constant 128 : i32
    %add3A_252 = arith.addi %mul3A_2, %add3A_251 : i32
    %dma_start3A_253 = arith.constant 128 : i32
    %dma_start3A_254 = arith.constant 0 : i32
    %dma_start3A_255 = tpu.memref_slice %arg7[%dma_start3A_253, %dma_start3A_254] : memref<512x128xf32, #tpu.memory_space<vmem>> -> memref<128x128xf32, #tpu.memory_space<vmem>>
    %dma_start3A_256 = arith.constant 0 : i32
    %dma_start3A_257 = tpu.memref_slice %arg4[%add3A_252, %dma_start3A_256] : memref<16384x128xf32, #tpu.memory_space<hbm>> -> memref<128x128xf32, #tpu.memory_space<hbm>>
    %dma_start3A_258 = arith.constant 0 : i32
    %dma_start3A_259 = tpu.memref_slice %arg4[%add3A_252, %dma_start3A_258] : memref<16384x128xf32, #tpu.memory_space<hbm>> -> memref<128x128xf32, #tpu.memory_space<hbm>>
    %dma_start3A_260 = arith.constant 128 : i32
    %dma_start3A_261 = arith.constant 0 : i32
    %dma_start3A_262 = tpu.memref_slice %arg7[%dma_start3A_260, %dma_start3A_261] : memref<512x128xf32, #tpu.memory_space<vmem>> -> memref<128x128xf32, #tpu.memory_space<vmem>>
    tpu.enqueue_dma source(%dma_start3A_262 : memref<128x128xf32, #tpu.memory_space<vmem>>) target(%dma_start3A_259 : memref<128x128xf32, #tpu.memory_space<hbm>>) target_semaphore(%arg17 : memref<!tpu.dma_semaphore, #tpu.memory_space<semaphore_mem>>)
    %dma_wait3A_263 = arith.constant 2 : i32
    %dma_wait3A_264 = arith.constant 256 : i32
    %dma_wait3A_265 = arith.constant 0 : i32
    %dma_wait3A_266 = tpu.memref_slice %arg7[%dma_wait3A_264, %dma_wait3A_265] : memref<512x128xf32, #tpu.memory_space<vmem>> -> memref<128x128xf32, #tpu.memory_space<vmem>>
    %dma_wait3A_267 = arith.constant 0 : i32
    %dma_wait3A_268 = tpu.memref_slice %arg5[%dma_wait3A_263, %dma_wait3A_267] : memref<4x128xi32, #tpu.memory_space<vmem>> -> memref<1x128xi32, #tpu.memory_space<vmem>>
    %dma_wait3A_269 = tpu.memref_squeeze %dma_wait3A_268 : memref<1x128xi32, #tpu.memory_space<vmem>> -> memref<128xi32, #tpu.memory_space<vmem>>
    %dma_wait3A_270 = arith.constant 0 : i32
    %dma_wait3A_271 = arith.constant 0 : i32
    %dma_wait3A_272 = tpu.memref_slice %arg6[%dma_wait3A_270, %dma_wait3A_271] : memref<2x128xf32, #tpu.memory_space<vmem_shared>> -> memref<2x128xf32, #tpu.memory_space<vmem_shared>>
    tpu.wait_indirect_dma semaphore(%arg14 : memref<!tpu.dma_semaphore, #tpu.memory_space<semaphore_mem>>) src(%dma_wait3A_272 : memref<2x128xf32, #tpu.memory_space<vmem_shared>>) dst(%dma_wait3A_266 : memref<128x128xf32, #tpu.memory_space<vmem>>)
    %add3A_273 = arith.constant 256 : i32
    %add3A_274 = arith.addi %mul3A_2, %add3A_273 : i32
    %dma_start3A_275 = arith.constant 256 : i32
    %dma_start3A_276 = arith.constant 0 : i32
    %dma_start3A_277 = tpu.memref_slice %arg7[%dma_start3A_275, %dma_start3A_276] : memref<512x128xf32, #tpu.memory_space<vmem>> -> memref<128x128xf32, #tpu.memory_space<vmem>>
    %dma_start3A_278 = arith.constant 0 : i32
    %dma_start3A_279 = tpu.memref_slice %arg4[%add3A_274, %dma_start3A_278] : memref<16384x128xf32, #tpu.memory_space<hbm>> -> memref<128x128xf32, #tpu.memory_space<hbm>>
    %dma_start3A_280 = arith.constant 0 : i32
    %dma_start3A_281 = tpu.memref_slice %arg4[%add3A_274, %dma_start3A_280] : memref<16384x128xf32, #tpu.memory_space<hbm>> -> memref<128x128xf32, #tpu.memory_space<hbm>>
    %dma_start3A_282 = arith.constant 256 : i32
    %dma_start3A_283 = arith.constant 0 : i32
    %dma_start3A_284 = tpu.memref_slice %arg7[%dma_start3A_282, %dma_start3A_283] : memref<512x128xf32, #tpu.memory_space<vmem>> -> memref<128x128xf32, #tpu.memory_space<vmem>>
    tpu.enqueue_dma source(%dma_start3A_284 : memref<128x128xf32, #tpu.memory_space<vmem>>) target(%dma_start3A_281 : memref<128x128xf32, #tpu.memory_space<hbm>>) target_semaphore(%arg18 : memref<!tpu.dma_semaphore, #tpu.memory_space<semaphore_mem>>)
    %dma_wait3A_285 = arith.constant 3 : i32
    %dma_wait3A_286 = arith.constant 384 : i32
    %dma_wait3A_287 = arith.constant 0 : i32
    %dma_wait3A_288 = tpu.memref_slice %arg7[%dma_wait3A_286, %dma_wait3A_287] : memref<512x128xf32, #tpu.memory_space<vmem>> -> memref<128x128xf32, #tpu.memory_space<vmem>>
    %dma_wait3A_289 = arith.constant 0 : i32
    %dma_wait3A_290 = tpu.memref_slice %arg5[%dma_wait3A_285, %dma_wait3A_289] : memref<4x128xi32, #tpu.memory_space<vmem>> -> memref<1x128xi32, #tpu.memory_space<vmem>>
    %dma_wait3A_291 = tpu.memref_squeeze %dma_wait3A_290 : memref<1x128xi32, #tpu.memory_space<vmem>> -> memref<128xi32, #tpu.memory_space<vmem>>
    %dma_wait3A_292 = arith.constant 0 : i32
    %dma_wait3A_293 = arith.constant 0 : i32
    %dma_wait3A_294 = tpu.memref_slice %arg6[%dma_wait3A_292, %dma_wait3A_293] : memref<2x128xf32, #tpu.memory_space<vmem_shared>> -> memref<2x128xf32, #tpu.memory_space<vmem_shared>>
    tpu.wait_indirect_dma semaphore(%arg15 : memref<!tpu.dma_semaphore, #tpu.memory_space<semaphore_mem>>) src(%dma_wait3A_294 : memref<2x128xf32, #tpu.memory_space<vmem_shared>>) dst(%dma_wait3A_288 : memref<128x128xf32, #tpu.memory_space<vmem>>)
    %add3A_295 = arith.constant 384 : i32
    %add3A_296 = arith.addi %mul3A_2, %add3A_295 : i32
    %dma_start3A_297 = arith.constant 384 : i32
    %dma_start3A_298 = arith.constant 0 : i32
    %dma_start3A_299 = tpu.memref_slice %arg7[%dma_start3A_297, %dma_start3A_298] : memref<512x128xf32, #tpu.memory_space<vmem>> -> memref<128x128xf32, #tpu.memory_space<vmem>>
    %dma_start3A_300 = arith.constant 0 : i32
    %dma_start3A_301 = tpu.memref_slice %arg4[%add3A_296, %dma_start3A_300] : memref<16384x128xf32, #tpu.memory_space<hbm>> -> memref<128x128xf32, #tpu.memory_space<hbm>>
    %dma_start3A_302 = arith.constant 0 : i32
    %dma_start3A_303 = tpu.memref_slice %arg4[%add3A_296, %dma_start3A_302] : memref<16384x128xf32, #tpu.memory_space<hbm>> -> memref<128x128xf32, #tpu.memory_space<hbm>>
    %dma_start3A_304 = arith.constant 384 : i32
    %dma_start3A_305 = arith.constant 0 : i32
    %dma_start3A_306 = tpu.memref_slice %arg7[%dma_start3A_304, %dma_start3A_305] : memref<512x128xf32, #tpu.memory_space<vmem>> -> memref<128x128xf32, #tpu.memory_space<vmem>>
    tpu.enqueue_dma source(%dma_start3A_306 : memref<128x128xf32, #tpu.memory_space<vmem>>) target(%dma_start3A_303 : memref<128x128xf32, #tpu.memory_space<hbm>>) target_semaphore(%arg19 : memref<!tpu.dma_semaphore, #tpu.memory_space<semaphore_mem>>)
    %dma_wait3A_307 = arith.constant 0 : i32
    %dma_wait3A_308 = arith.constant 0 : i32
    %dma_wait3A_309 = tpu.memref_slice %arg7[%dma_wait3A_307, %dma_wait3A_308] : memref<512x128xf32, #tpu.memory_space<vmem>> -> memref<128x128xf32, #tpu.memory_space<vmem>>
    %dma_wait3A_310 = arith.constant 0 : i32
    %dma_wait3A_311 = tpu.memref_slice %arg4[%add3A_230, %dma_wait3A_310] : memref<16384x128xf32, #tpu.memory_space<hbm>> -> memref<128x128xf32, #tpu.memory_space<hbm>>
    %dma_wait3A_312 = arith.constant 0 : i32
    %dma_wait3A_313 = tpu.memref_slice %arg4[%add3A_230, %dma_wait3A_312] : memref<16384x128xf32, #tpu.memory_space<hbm>> -> memref<128x128xf32, #tpu.memory_space<hbm>>
    %dma_wait3A_314 = arith.constant 0 : i32
    %dma_wait3A_315 = arith.constant 0 : i32
    %dma_wait3A_316 = tpu.memref_slice %arg7[%dma_wait3A_314, %dma_wait3A_315] : memref<512x128xf32, #tpu.memory_space<vmem>> -> memref<128x128xf32, #tpu.memory_space<vmem>>
    tpu.wait_dma2 semaphore(%arg16 : memref<!tpu.dma_semaphore, #tpu.memory_space<semaphore_mem>>) src(%dma_wait3A_316 : memref<128x128xf32, #tpu.memory_space<vmem>>) dst(%dma_wait3A_313 : memref<128x128xf32, #tpu.memory_space<hbm>>)
    %dma_wait3A_317 = arith.constant 128 : i32
    %dma_wait3A_318 = arith.constant 0 : i32
    %dma_wait3A_319 = tpu.memref_slice %arg7[%dma_wait3A_317, %dma_wait3A_318] : memref<512x128xf32, #tpu.memory_space<vmem>> -> memref<128x128xf32, #tpu.memory_space<vmem>>
    %dma_wait3A_320 = arith.constant 0 : i32
    %dma_wait3A_321 = tpu.memref_slice %arg4[%add3A_252, %dma_wait3A_320] : memref<16384x128xf32, #tpu.memory_space<hbm>> -> memref<128x128xf32, #tpu.memory_space<hbm>>
    %dma_wait3A_322 = arith.constant 0 : i32
    %dma_wait3A_323 = tpu.memref_slice %arg4[%add3A_252, %dma_wait3A_322] : memref<16384x128xf32, #tpu.memory_space<hbm>> -> memref<128x128xf32, #tpu.memory_space<hbm>>
    %dma_wait3A_324 = arith.constant 128 : i32
    %dma_wait3A_325 = arith.constant 0 : i32
    %dma_wait3A_326 = tpu.memref_slice %arg7[%dma_wait3A_324, %dma_wait3A_325] : memref<512x128xf32, #tpu.memory_space<vmem>> -> memref<128x128xf32, #tpu.memory_space<vmem>>
    tpu.wait_dma2 semaphore(%arg17 : memref<!tpu.dma_semaphore, #tpu.memory_space<semaphore_mem>>) src(%dma_wait3A_326 : memref<128x128xf32, #tpu.memory_space<vmem>>) dst(%dma_wait3A_323 : memref<128x128xf32, #tpu.memory_space<hbm>>)
    %dma_wait3A_327 = arith.constant 256 : i32
    %dma_wait3A_328 = arith.constant 0 : i32
    %dma_wait3A_329 = tpu.memref_slice %arg7[%dma_wait3A_327, %dma_wait3A_328] : memref<512x128xf32, #tpu.memory_space<vmem>> -> memref<128x128xf32, #tpu.memory_space<vmem>>
    %dma_wait3A_330 = arith.constant 0 : i32
    %dma_wait3A_331 = tpu.memref_slice %arg4[%add3A_274, %dma_wait3A_330] : memref<16384x128xf32, #tpu.memory_space<hbm>> -> memref<128x128xf32, #tpu.memory_space<hbm>>
    %dma_wait3A_332 = arith.constant 0 : i32
    %dma_wait3A_333 = tpu.memref_slice %arg4[%add3A_274, %dma_wait3A_332] : memref<16384x128xf32, #tpu.memory_space<hbm>> -> memref<128x128xf32, #tpu.memory_space<hbm>>
    %dma_wait3A_334 = arith.constant 256 : i32
    %dma_wait3A_335 = arith.constant 0 : i32
    %dma_wait3A_336 = tpu.memref_slice %arg7[%dma_wait3A_334, %dma_wait3A_335] : memref<512x128xf32, #tpu.memory_space<vmem>> -> memref<128x128xf32, #tpu.memory_space<vmem>>
    tpu.wait_dma2 semaphore(%arg18 : memref<!tpu.dma_semaphore, #tpu.memory_space<semaphore_mem>>) src(%dma_wait3A_336 : memref<128x128xf32, #tpu.memory_space<vmem>>) dst(%dma_wait3A_333 : memref<128x128xf32, #tpu.memory_space<hbm>>)
    %dma_wait3A_337 = arith.constant 384 : i32
    %dma_wait3A_338 = arith.constant 0 : i32
    %dma_wait3A_339 = tpu.memref_slice %arg7[%dma_wait3A_337, %dma_wait3A_338] : memref<512x128xf32, #tpu.memory_space<vmem>> -> memref<128x128xf32, #tpu.memory_space<vmem>>
    %dma_wait3A_340 = arith.constant 0 : i32
    %dma_wait3A_341 = tpu.memref_slice %arg4[%add3A_296, %dma_wait3A_340] : memref<16384x128xf32, #tpu.memory_space<hbm>> -> memref<128x128xf32, #tpu.memory_space<hbm>>
    %dma_wait3A_342 = arith.constant 0 : i32
    %dma_wait3A_343 = tpu.memref_slice %arg4[%add3A_296, %dma_wait3A_342] : memref<16384x128xf32, #tpu.memory_space<hbm>> -> memref<128x128xf32, #tpu.memory_space<hbm>>
    %dma_wait3A_344 = arith.constant 384 : i32
    %dma_wait3A_345 = arith.constant 0 : i32
    %dma_wait3A_346 = tpu.memref_slice %arg7[%dma_wait3A_344, %dma_wait3A_345] : memref<512x128xf32, #tpu.memory_space<vmem>> -> memref<128x128xf32, #tpu.memory_space<vmem>>
    tpu.wait_dma2 semaphore(%arg19 : memref<!tpu.dma_semaphore, #tpu.memory_space<semaphore_mem>>) src(%dma_wait3A_346 : memref<128x128xf32, #tpu.memory_space<vmem>>) dst(%dma_wait3A_343 : memref<128x128xf32, #tpu.memory_space<hbm>>)
    return
  }
}

</mosaic_0001>

<sc_bundles>
// kernel: kernel.3.cloned.1.call-start
scs
__scs_entry_jumppad:
0x0: {  	(pc) =	sbr.rel $0x88, $3  }
0x1: {  	(tag) =	ssettag $0x0;
	lr =	simm.s32 $0x1  }
0x2: {  	[smem:$0x3F9F] =	sst lr;
	_ =	strace $0xD0000000  }
0x3: {  	_ = 	snop  }
0x4: {  	_ = 	snop  }
0x5: {  	_ = 	snop  }
0x6: {  	_ = 	snop  }
0x7: {  	_ = 	snop  }
__scs_overlays_trampoline_lowered:
0x8: {  	[smem:$0x3FAE] =	sst s0  }
0x9: {  	[smem:$0x3FAF] =	sst s1  }
0xa: {  	[smem:$0x3FB0] =	sst s2  }
0xb: {  	[smem:$0x3FB1] =	sst s3  }
0xc: {  	[smem:$0x3FB2] =	sst s4  }
0xd: {  	[smem:$0x3FB3] =	sst s5  }
0xe: {  	[smem:$0x3FB4] =	sst s6  }
0xf: {  	[smem:$0x3FB5] =	sst s7  }
0x10: {  	[smem:$0x3FB6] =	sst s8  }
0x11: {  	[smem:$0x3FB7] =	sst s9;
	s0 =	simm.s32 @!p0 $0x0  }
0x12: {  	s1 =	sld [smem:$0x3F9D];
	s0 =	simm.s32 @p0 $0x1  }
0x13: {  	[smem:$0x3FB8] =	sst s0;
	s0 =	simm.s32 @!p1 $0x0  }
0x14: {  	s2 =	sld [smem:$0x3F9C];
	s0 =	simm.s32 @p1 $0x1  }
0x15: {  	[smem:$0x3FB9] =	sst s0;
	s0 =	simm.s32 @!p2 $0x0  }
0x16: {  	s3 =	sld [smem:$0x3FDB];
	s0 =	simm.s32 @p2 $0x1  }
0x17: {  	s4 =	simm.s32 $0x1BF5;
	[smem:$0x3FBB] =	sst s0  }
0x18: {  	s0 =	sld [smem:$0x3F9E];
	_ =	swait.ge [sflag:s4], $0x0  }
0x19: {  	s7 =	sld [smem:$0x3F9F]  }
0x1a: {  	s8 =	sadd.s32 $0xFFFFE003, lr  }
0x1b: {  	s9 =	sadd.s32 $0xFFFFFEF7, lr;
	s5 =	simm.s32 $0xFFFFFFFF;
	p2 =	slt.u32 s8, $0xFFFFF086  }
0x1c: {  	p1 =	slt.u32 s9, $0xF7A;
	s5 =	simm.s32 @!p2 $0x0  }
0x1d: {  	s5 =	simm.s32 @p1 $0x1;
	p0 =	seq.s32 s7, s2  }
0x1e: {  	s7 =	smul.u32 @!p0 $0xF7A, s2;
	p2 =	seq.s32 @!p0 s5, $0x0  }
0x1f: {  	s9 =	smul.u32 $0xF7A, s1;
	s8 =	simm.s32 @!p0 $0x1BF5;
	p2 =	por !p2, p0  }
0x20: {  	[sflag:s8] =	ssyncset.s32 @!p0 $0xFFFFF086;
	s6 =	sadd.s32 @!p0 s3, s7;
	s7 =	simm.s32 @!p0 $0x108  }
0x21: {  	s3 =	sadd.s32 s3, s9;
	s6 =	sadd.s32 @!p0 $0x88, s6;
	s7 =	simm.s32 @p2 $0x1082  }
0x22: {  	[simem:s7], [sflag:s8] =	dma.local @!p0 [hbm:s6], $0xF7A  }
0x23: {  	s9 =	sor.u32 $0xD0000000, s2;
	s6 =	simm.s32 $0x108;
	_ =	swait.ge @!p0 [sflag:s8], $0x0  }
0x24: {  	s3 =	sadd.s32 $0x88, s3;
	s6 =	simm.s32 @!p1 $0x1082;
	[sflag:s4] =	ssyncset.s32 $0xFFFFF086  }
0x25: {  	[simem:s6], [sflag:s4] =	dma.local [hbm:s3], $0xF7A  }
0x26: {  	[smem:$0x3F9F] =	sst s1;
	(tag) =	ssettag s2;
	_ =	strace s9  }
0x27: {  	s1 =	sld [smem:$0x3FAF]  }
0x28: {  	s2 =	sld [smem:$0x3FB0]  }
0x29: {  	s4 =	sld [smem:$0x3FB2]  }
0x2a: {  	p0 =	seq.s32 s5, $0x0;
	s5 =	sld [smem:$0x3FB3]  }
0x2b: {  	s6 =	sld [smem:$0x3FB4]  }
0x2c: {  	s7 =	sld [smem:$0x3FB5]  }
0x2d: {  	s3 =	simm.s32 $0x108;
	s8 =	sld [smem:$0x3FB6]  }
0x2e: {  	s3 =	simm.s32 @!p0 $0x1082;
	s9 =	sld [smem:$0x3FB7]  }
0x2f: {  	lr =	sadd.s32 s0, s3;
	s0 =	sld [smem:$0x3FAE]  }
0x30: {  	s3 =	sld [smem:$0x3FB1]  }
0x31: {  	[smem:$0x3FBA] =	sst s10  }
0x32: {  	s10 =	sld [smem:$0x3FB8];
	_ =	sdelay $0x3  }
0x33: {  	p0 =	seq.s32 s10, $0x1;
	s10 =	sld [smem:$0x3FBA];
	_ =	sdelay $0x3  }
0x34: {  	[smem:$0x3FBA] =	sst s10  }
0x35: {  	s10 =	sld [smem:$0x3FB9];
	_ =	sdelay $0x3  }
0x36: {  	p1 =	seq.s32 s10, $0x1;
	s10 =	sld [smem:$0x3FBA];
	_ =	sdelay $0x3  }
0x37: {  	[smem:$0x3FBA] =	sst s10  }
0x38: {  	s10 =	sld [smem:$0x3FBB]  }
0x39: {  	_ = 	snop;
	(pc) =	sbr.ind lr, $3  }
0x3a: {  	_ = 	snop  }
0x3b: {  	_ = 	snop  }
0x3c: {  	p2 =	seq.s32 s10, $0x1;
	s10 =	sld [smem:$0x3FBA]  }
0x3d: {  	_ =	shalt  }
0x3e: {  	_ =	shalt  }
0x3f: {  	_ =	shalt  }
0x40: {  	_ =	shalt  }
0x41: {  	_ =	shalt  }
0x42: {  	_ =	shalt  }
0x43: {  	_ =	shalt  }
0x44: {  	_ =	shalt  }
0x45: {  	_ =	shalt  }
0x46: {  	_ =	shalt  }
0x47: {  	_ =	shalt  }
0x48: {  	_ =	shalt  }
0x49: {  	_ =	shalt  }
0x4a: {  	_ =	shalt  }
0x4b: {  	_ =	shalt  }
0x4c: {  	_ =	shalt  }
0x4d: {  	_ =	shalt  }
0x4e: {  	_ =	shalt  }
0x4f: {  	_ =	shalt  }
0x50: {  	_ =	shalt  }
0x51: {  	_ =	shalt  }
0x52: {  	_ =	shalt  }
0x53: {  	_ =	shalt  }
0x54: {  	_ =	shalt  }
0x55: {  	_ =	shalt  }
0x56: {  	_ =	shalt  }
0x57: {  	_ =	shalt  }
0x58: {  	_ =	shalt  }
0x59: {  	_ =	shalt  }
0x5a: {  	_ =	shalt  }
0x5b: {  	_ =	shalt  }
0x5c: {  	_ =	shalt  }
0x5d: {  	_ =	shalt  }
0x5e: {  	_ =	shalt  }
0x5f: {  	_ =	shalt  }
0x60: {  	_ =	shalt  }
0x61: {  	_ =	shalt  }
0x62: {  	_ =	shalt  }
0x63: {  	_ =	shalt  }
0x64: {  	_ =	shalt  }
0x65: {  	_ =	shalt  }
0x66: {  	_ =	shalt  }
0x67: {  	_ =	shalt  }
0x68: {  	_ =	shalt  }
0x69: {  	_ =	shalt  }
0x6a: {  	_ =	shalt  }
0x6b: {  	_ =	shalt  }
0x6c: {  	_ =	shalt  }
0x6d: {  	_ =	shalt  }
0x6e: {  	_ =	shalt  }
0x6f: {  	_ =	shalt  }
0x70: {  	_ =	shalt  }
0x71: {  	_ =	shalt  }
0x72: {  	_ =	shalt  }
0x73: {  	_ =	shalt  }
0x74: {  	_ =	shalt  }
0x75: {  	_ =	shalt  }
0x76: {  	_ =	shalt  }
0x77: {  	_ =	shalt  }
0x78: {  	_ =	shalt  }
0x79: {  	_ =	shalt  }
0x7a: {  	_ =	shalt  }
0x7b: {  	_ =	shalt  }
0x7c: {  	_ =	shalt  }
0x7d: {  	_ =	shalt  }
0x7e: {  	_ =	shalt  }
0x7f: {  	_ =	shalt  }
0x80: {  	_ =	shalt  }
0x81: {  	_ =	shalt  }
0x82: {  	_ =	shalt  }
0x83: {  	_ =	shalt  }
0x84: {  	_ =	shalt  }
0x85: {  	_ =	shalt  }
0x86: {  	_ =	shalt  }
0x87: {  	_ =	shalt  }
.Lfunc_end0:
.L_simem_size_0:
called_computation_lowered:
.L_overlay_start_0:
0x88: {  	s2 =	sld [smem:$0x3FD9]  }
0x89: {  	s3 =	sld [smem:$0x3FFE];
	_ =	sdelay $0x1  }
0x8a: {  	s1 =	srdreg.scid  }
0x8b: {  	s0 =	sand.u32 $0x1, s1  }
0x8c: {  	s18 =	sshll.u32 s0, $0xA;
	s2 =	sadd.s32 s3, s2  }
0x8d: {  	s2 =	sadd.s32 s2, s18  }
0x8e: {  	[smem:$0x3FC6] =	sst s2  }
0x8f: {  	_ = 	snop  }
0x90: {  	s2 =	sld [smem:$0x3FC9]  }
0x91: {  	s19 =	sld [smem:$0x3FC8]  }
0x92: {  	s4 =	sld [smem:$0x3FD0];
	(tm) =	ssettm $0x1  }
0x93: {  	s5 =	sld [smem:$0x3FFB];
	_ =	sdelay $0x3  }
0x94: {  	_ =	strace s5  }
0x95: {  	s5 =	sld [smem:$0x3FFC];
	_ =	sdelay $0x3  }
0x96: {  	_ =	strace s5  }
0x97: {  	s5 =	sld [smem:$0x3FFD];
	_ =	sdelay $0x3  }
0x98: {  	_ =	strace s5  }
0x99: {  	_ =	strace $0x8FFFFFFF  }
0x9a: {  	s20 =	sld [smem:$0x3FDB];
	_ =	sdelay $0x1  }
0x9b: {  	s6 =	simm.s32 $_scs_section_size  }
0x9c: {  	s7 =	simm.s32 $_size__tile_overlayer_lowered;
	s8 =	simm.s32 $_tile_overlayer_lowered  }
0x9d: {  	s23 =	simm.s32 $0x1BFF;
	s22 =	sshll.u32 s8, $0x1;
	s5 =	sadd.s32 s6, s20  }
0x9e: {  	s9 =	simm.s32 $0x0;
	s21 =	sshll.u32 s7, $0x1;
	s7 =	sadd.s32 s22, s5  }
0x9f: {  	[timem:s9], [sflag:s23] =	dma.local [hbm:s7], s21  }
0xa0: {  	_ =	swait.ge [sflag:s23], s21  }
0xa1: {  	s6 =	ssub.s32 $0x0, s21;
	[sflag:s23] =	ssyncset.done $0x0  }
0xa2: {  	[sflag:s23] =	ssyncadd.s32 s6;
	_ =	sdelay $0x1  }
0xa3: {  	s24 =	simm.s32 $0x1B8B  }
0xa4: {  	_ =	swait.ge [sflag:s24], $0x1  }
0xa5: {  	[sflag:s24] =	ssyncset.done $0x0  }
0xa6: {  	s25 =	simm.s32 $0x1B8E;
	[sflag:s24] =	ssyncadd.s32 $0xFFFFFFFF  }
0xa7: {  	s26 =	simm.s32 $execute0_lowered;
	[smem:$0x3FD2] =	sst s25  }
0xa8: {  	s6 =	sshll.u32 s26, $0x1;
	_ =	strace $0x80000046;
	[dreg:$0x1] =	wrdreg $0xFFFFFFFF  }
0xa9: {  	s28 =	simm.s32 $_size_execute0_lowered;
	s5 =	sadd.s32 s5, s6;
	[dreg:$0x0] =	wrdreg $0x0  }
0xaa: {  	s6 =	sshll.u32 s28, $0x1;
	[dreg:$0x2] =	wrdreg s5  }
0xab: {  	[dreg:$0x3] =	wrdreg s6  }
0xac: {  	[dreg:$0x4] =	wrdreg $0xC0  }
0xad: {  	_ =	task [dreg:s9], $0x5FFFF  }
0xae: {  	[dreg:$0x1] =	wrdreg $0xFFFFFFFF  }
0xaf: {  	[dreg:$0x0] =	wrdreg $0x60  }
0xb0: {  	[dreg:$0x2] =	wrdreg s2  }
0xb1: {  	[dreg:$0x3] =	wrdreg s19  }
0xb2: {  	[dreg:$0x4] =	wrdreg s4  }
0xb3: {  	[dreg:$0x5] =	wrdreg $0x2000  }
0xb4: {  	[dreg:$0x6] =	wrdreg $0x9  }
0xb5: {  	_ =	task.clear_ibuf [dreg:s9], $0x7FFFF;
	_ =	strace $0x90000046  }
0xb6: {  	s29 =	simm.s32 $0x9;
	_ =	strace $0x80000048  }
0xb7: {  	_ =	swait.ge [sflag:s29], $0x1  }
0xb8: {  	[sflag:s29] =	ssyncadd.s32 $0xFFFFFFFF  }
0xb9: {  	_ =	strace $0x90000048  }
0xba: {  	_ =	sfence  }
0xbb: {  	s30 =	sld [smem:$0x0];
	_ =	sdelay $0x2  }
0xbc: {  	s31 =	sshll.u32 s1, $0xD;
	s1 =	sshrl.u32 s1, $0x2  }
0xbd: {  	s3 =	sand.u32 $0x4000, s31;
	s1 =	sadd.s32 s1, s30  }
0xbe: {  	s0 =	sor.u32 s3, s0;
	s1 =	sshll.u32 s1, $0x11  }
0xbf: {  	s0 =	sor.u32 s1, s0  }
0xc0: {  	s0 =	sadd.s32 $0x8F2B, s0  }
0xc1: {  	[sflag:s0] =	ssyncadd.remote.s32 $0x1  }
0xc2: {  	_ =	sfence.sel $0xFFFF  }
0xc3: {  	[dreg:$0x0] =	wrdreg $0xFFFFFFFF;
	(pc) =	sbr.abs _section_cstart, $3  }
0xc4: {  	[dreg:$0x1] =	wrdreg $0xFFFFFFFF  }
0xc5: {  	_ =	task.clear_ibuf [dreg:s9], $0x2FFFF;
	_ =	strace $0x9FFFFFFF  }
0xc6: {  	(tm) =	ssettm $0x7FFFFFFF  }
0xc7: {  	_ =	shalt  }
tec
execute0_lowered:
.L_overlay_start_1:
0x0: {  	(tag) =	ssettag $0x1  }
0x1: {  	s3 =	rddreg [dreg:$0x0];
	s1 =	srdreg.scid  }
0x2: {  	s0 =	rddreg [dreg:$0x1];
	s4 =	stileid.u32;
	s29 =	sand.u32 $0x1, s1  }
0x3: {  	s19 =	rddreg [dreg:$0x2];
	s22 =	sshll.u32 s4, $0xA;
	s2 =	sshll.u32 s29, $0x9  }
0x4: {  	[dreg:$0x5] =	wrdreg s0;
	s20 =	sor.u32 s2, s22  }
0x5: {  	s1 =	rddreg [dreg:$0x3];
	s2 =	simm.s32 $0x0;
	s5 =	sshrl.u32 s20, $0x3  }
0x6: {  	[smem:$0x7FF] =	sst s2;
	s23 =	sadd.s32 s3, s5  }
0x7: {  	_ =	strace $0x80000047;
	[dreg:$0x9] =	wrdreg s23  }
0x8: {  	[tilespmem:s2], [sflag:$0x1] =	stream.linear.gather [hbm4b:s23+s2], $0x80, $0x38;
	[tilespmem:$0x10210] =	vst v63  }
0x9: {  	s5 =	sadd.s32 $0x10, s23;
	s10 =	rddreg [dreg:$0x5]  }
0xa: {  	s24 =	sadd.s32 $0x20, s23;
	[dreg:$0x6] =	wrdreg s5  }
0xb: {  	s25 =	sadd.s32 $0x30, s23;
	[dreg:$0x7] =	wrdreg s24  }
0xc: {  	s6 =	simm.s32 $0x180;
	[dreg:$0x8] =	wrdreg s25  }
0xd: {  	p0 =	sne.s32 s4, $0x0;
	s4 =	simm.s32 $0x80;
	s26 =	rddreg [dreg:$0x6]  }
0xe: {  	[tilespmem:s4], [sflag:$0x2] =	stream.linear.gather [hbm4b:s26+s2], $0x80, $0x38;
	[tilespmem:$0x10210] =	vst v63  }
0xf: {  	s0 =	simm.s32 @!p0 $0x1C0D;
	s5 =	simm.s32 $0x100;
	s7 =	rddreg [dreg:$0x7]  }
0x10: {  	[tilespmem:s5], [sflag:$0x3] =	stream.linear.gather [hbm4b:s7+s2], $0x80, $0x38;
	[tilespmem:$0x10210] =	vst v63  }
0x11: {  	s9 =	simm.s32 @!p0 $0xD;
	s11 =	rddreg [dreg:$0x8];
	s7 =	sshrl.u32 @!p0 s1, $0x3  }
0x12: {  	[tilespmem:s6], [sflag:$0x4] =	stream.linear.gather [hbm4b:s11+s2], $0x80, $0x38;
	[tilespmem:$0x10210] =	vst v63  }
0x13: {  	[spmem:s7], [sflag:s0] =	dma.local @!p0 [hbm:s10], $0x20  }
0x14: {  	_ =	swait.ge @!p0 [sflag:s9], $0x20  }
0x15: {  	[sflag:s9] =	ssyncset.done @!p0 $0x0  }
0x16: {  	[sflag:s9] =	ssyncadd.s32 @!p0 $0xFFFFFFE0  }
0x17: {  	s10 =	simm.s32 $0x1;
	[bflag:$0x0] =	sbarrier.arrive $0xFFFF  }
0x18: {  	_ =	swait.ge [sflag:s10], $0x80  }
0x19: {  	[sflag:s10] =	ssyncset.done $0x0  }
0x1a: {  	s12 =	simm.s32 $0x2;
	s11 =	simm.s32 $0x210;
	[sflag:s10] =	ssyncadd.s32 $0xFFFFFF80  }
0x1b: {  	[tilespmem:s11], [sflag:$0x5] =	stream.indirect.gather [spmem:s1], $0x80, s2, s4, $0xb8;
	[tilespmem:$0x10210] =	vst v63  }
0x1c: {  	_ =	swait.ge [sflag:s12], $0x80  }
0x1d: {  	[sflag:s12] =	ssyncset.done $0x0  }
0x1e: {  	s13 =	simm.s32 $0x4210;
	s14 =	simm.s32 $0x3;
	[sflag:s12] =	ssyncadd.s32 $0xFFFFFF80  }
0x1f: {  	[tilespmem:s13], [sflag:$0x6] =	stream.indirect.gather [spmem:s1], $0x80, s4, s4, $0xb8;
	[tilespmem:$0x10210] =	vst v63  }
0x20: {  	_ =	swait.ge [sflag:s14], $0x80  }
0x21: {  	[sflag:s14] =	ssyncset.done $0x0  }
0x22: {  	s15 =	simm.s32 $0x8210;
	s16 =	simm.s32 $0x4;
	[sflag:s14] =	ssyncadd.s32 $0xFFFFFF80  }
0x23: {  	[tilespmem:s15], [sflag:$0x7] =	stream.indirect.gather [spmem:s1], $0x80, s5, s4, $0xb8;
	[tilespmem:$0x10210] =	vst v63  }
0x24: {  	_ =	swait.ge [sflag:s16], $0x80  }
0x25: {  	[sflag:s16] =	ssyncset.done $0x0  }
0x26: {  	s17 =	simm.s32 $0xC210;
	s18 =	simm.s32 $0x5;
	[sflag:s16] =	ssyncadd.s32 $0xFFFFFF80  }
0x27: {  	[tilespmem:s17], [sflag:$0x8] =	stream.indirect.gather [spmem:s1], $0x80, s6, s4, $0xb8;
	[tilespmem:$0x10210] =	vst v63  }
0x28: {  	_ =	swait.ge [sflag:s18], $0x4000  }
0x29: {  	s20 =	sshll.u32 s20, $0x4;
	[sflag:s18] =	ssyncset.done $0x0  }
0x2a: {  	s19 =	sadd.s32 s19, s20;
	s20 =	simm.s32 $0x6;
	[sflag:s18] =	ssyncadd.s32 $0xFFFFC000  }
0x2b: {  	[hbm4b:s19+s2] =	stream.linear.scatter [tilespmem:s11], [sflag:$0x9], $0x4000, $0x38;
	[tilespmem:$0x10210] =	vst v63  }
0x2c: {  	_ =	swait.ge [sflag:s20], $0x4000  }
0x2d: {  	[sflag:s20] =	ssyncset.done $0x0  }
0x2e: {  	s22 =	simm.s32 $0x7;
	s21 =	sadd.s32 $0x800, s19;
	[sflag:s20] =	ssyncadd.s32 $0xFFFFC000  }
0x2f: {  	[hbm4b:s21+s2] =	stream.linear.scatter [tilespmem:s13], [sflag:$0xA], $0x4000, $0x38;
	[tilespmem:$0x10210] =	vst v63  }
0x30: {  	_ =	swait.ge [sflag:s22], $0x4000  }
0x31: {  	[sflag:s22] =	ssyncset.done $0x0  }
0x32: {  	s23 =	sadd.s32 $0x1000, s19;
	s24 =	simm.s32 $0x8;
	[sflag:s22] =	ssyncadd.s32 $0xFFFFC000  }
0x33: {  	[hbm4b:s23+s2] =	stream.linear.scatter [tilespmem:s15], [sflag:$0xB], $0x4000, $0x38;
	[tilespmem:$0x10210] =	vst v63  }
0x34: {  	_ =	swait.ge [sflag:s24], $0x4000  }
0x35: {  	s29 =	ssub.s32 $0x2, s29;
	[sflag:s24] =	ssyncset.done $0x0  }
0x36: {  	s25 =	sadd.s32 $0x1800, s19;
	s26 =	simm.s32 $0x9;
	[sflag:s24] =	ssyncadd.s32 $0xFFFFC000  }
0x37: {  	[hbm4b:s25+s2] =	stream.linear.scatter [tilespmem:s17], [sflag:$0xC], $0x4000, $0x38;
	[tilespmem:$0x10210] =	vst v63  }
0x38: {  	s30 =	sshrl.u32 s29, $0x1;
	_ =	swait.ge [sflag:s26], $0x4000  }
0x39: {  	s30 =	ssub.s32 s29, s30;
	[sflag:s26] =	ssyncset.done $0x0  }
0x3a: {  	s28 =	simm.s32 $0xA;
	s30 =	smax.u32 s30, $0x1;
	[sflag:s26] =	ssyncadd.s32 $0xFFFFC000  }
0x3b: {  	s30 =	sadd.s32 $0xFFFFFFFF, s30;
	_ =	swait.ge [sflag:s28], $0x4000  }
0x3c: {  	p1 =	sne.s32 s30, $0x0;
	[sflag:s28] =	ssyncset.done $0x0  }
.Ltmp0:
0x3d: {  	s29 =	simm.s32 $0xB;
	[sflag:s28] =	ssyncadd.s32 $0xFFFFC000;
	(pc) =	sbr.rel @!p1 .LBB2_2-.Ltmp0, $4  }
0x3e: {  	_ =	swait.ge [sflag:s29], $0x4000  }
0x3f: {  	[sflag:s29] =	ssyncset.done $0x0  }
0x40: {  	s31 =	simm.s32 $0xC;
	[sflag:s29] =	ssyncadd.s32 $0xFFFFC000  }
0x41: {  	_ =	swait.ge [sflag:s31], $0x4000  }
.LBB2_1:
0x42: {  	[sflag:s31] =	ssyncset.done $0x0  }
0x43: {  	s3 =	rddreg [dreg:$0x9];
	[sflag:s31] =	ssyncadd.s32 $0xFFFFC000  }
0x44: {  	[tilespmem:s2], [sflag:$0x1] =	stream.linear.gather [hbm4b:s3+s2], $0x80, $0x38;
	[tilespmem:$0x10210] =	vst v63  }
0x45: {  	s0 =	rddreg [dreg:$0x6]  }
0x46: {  	[tilespmem:s4], [sflag:$0x2] =	stream.linear.gather [hbm4b:s0+s2], $0x80, $0x38;
	[tilespmem:$0x10210] =	vst v63  }
0x47: {  	s8 =	rddreg [dreg:$0x7]  }
0x48: {  	[tilespmem:s5], [sflag:$0x3] =	stream.linear.gather [hbm4b:s8+s2], $0x80, $0x38;
	[tilespmem:$0x10210] =	vst v63  }
0x49: {  	s0 =	rddreg [dreg:$0x8]  }
0x4a: {  	[tilespmem:s6], [sflag:$0x4] =	stream.linear.gather [hbm4b:s0+s2], $0x80, $0x38;
	[tilespmem:$0x10210] =	vst v63  }
0x4b: {  	s3 =	rddreg [dreg:$0x5];
	s0 =	simm.s32 @!p0 $0x1C0D  }
0x4c: {  	[spmem:s7], [sflag:s0] =	dma.local @!p0 [hbm:s3], $0x20  }
0x4d: {  	_ =	swait.ge @!p0 [sflag:s9], $0x20  }
0x4e: {  	[sflag:s9] =	ssyncset.done @!p0 $0x0  }
0x4f: {  	[sflag:s9] =	ssyncadd.s32 @!p0 $0xFFFFFFE0  }
0x50: {  	[bflag:$0x0] =	sbarrier.arrive $0xFFFF  }
0x51: {  	_ =	swait.ge [sflag:s10], $0x80  }
0x52: {  	[sflag:s10] =	ssyncset.done $0x0  }
0x53: {  	[sflag:s10] =	ssyncadd.s32 $0xFFFFFF80  }
0x54: {  	[tilespmem:s11], [sflag:$0x5] =	stream.indirect.gather [spmem:s1], $0x80, s2, s4, $0xb8;
	[tilespmem:$0x10210] =	vst v63  }
0x55: {  	_ =	swait.ge [sflag:s12], $0x80  }
0x56: {  	[sflag:s12] =	ssyncset.done $0x0  }
0x57: {  	[sflag:s12] =	ssyncadd.s32 $0xFFFFFF80  }
0x58: {  	[tilespmem:s13], [sflag:$0x6] =	stream.indirect.gather [spmem:s1], $0x80, s4, s4, $0xb8;
	[tilespmem:$0x10210] =	vst v63  }
0x59: {  	_ =	swait.ge [sflag:s14], $0x80  }
0x5a: {  	[sflag:s14] =	ssyncset.done $0x0  }
0x5b: {  	[sflag:s14] =	ssyncadd.s32 $0xFFFFFF80  }
0x5c: {  	[tilespmem:s15], [sflag:$0x7] =	stream.indirect.gather [spmem:s1], $0x80, s5, s4, $0xb8;
	[tilespmem:$0x10210] =	vst v63  }
0x5d: {  	_ =	swait.ge [sflag:s16], $0x80  }
0x5e: {  	[sflag:s16] =	ssyncset.done $0x0  }
0x5f: {  	[sflag:s16] =	ssyncadd.s32 $0xFFFFFF80  }
0x60: {  	[tilespmem:s17], [sflag:$0x8] =	stream.indirect.gather [spmem:s1], $0x80, s6, s4, $0xb8;
	[tilespmem:$0x10210] =	vst v63  }
0x61: {  	_ =	swait.ge [sflag:s18], $0x4000  }
0x62: {  	[sflag:s18] =	ssyncset.done $0x0  }
0x63: {  	[sflag:s18] =	ssyncadd.s32 $0xFFFFC000  }
0x64: {  	[hbm4b:s19+s2] =	stream.linear.scatter [tilespmem:s11], [sflag:$0x9], $0x4000, $0x38;
	[tilespmem:$0x10210] =	vst v63  }
0x65: {  	_ =	swait.ge [sflag:s20], $0x4000  }
0x66: {  	[sflag:s20] =	ssyncset.done $0x0  }
0x67: {  	[sflag:s20] =	ssyncadd.s32 $0xFFFFC000  }
0x68: {  	[hbm4b:s21+s2] =	stream.linear.scatter [tilespmem:s13], [sflag:$0xA], $0x4000, $0x38;
	[tilespmem:$0x10210] =	vst v63  }
0x69: {  	_ =	swait.ge [sflag:s22], $0x4000  }
0x6a: {  	[sflag:s22] =	ssyncset.done $0x0  }
0x6b: {  	[sflag:s22] =	ssyncadd.s32 $0xFFFFC000  }
0x6c: {  	[hbm4b:s23+s2] =	stream.linear.scatter [tilespmem:s15], [sflag:$0xB], $0x4000, $0x38;
	[tilespmem:$0x10210] =	vst v63  }
0x6d: {  	_ =	swait.ge [sflag:s24], $0x4000  }
0x6e: {  	[sflag:s24] =	ssyncset.done $0x0  }
0x6f: {  	[sflag:s24] =	ssyncadd.s32 $0xFFFFC000  }
0x70: {  	[hbm4b:s25+s2] =	stream.linear.scatter [tilespmem:s17], [sflag:$0xC], $0x4000, $0x38;
	[tilespmem:$0x10210] =	vst v63  }
0x71: {  	_ =	swait.ge [sflag:s26], $0x4000  }
0x72: {  	[sflag:s26] =	ssyncset.done $0x0  }
0x73: {  	[sflag:s26] =	ssyncadd.s32 $0xFFFFC000  }
0x74: {  	s30 =	sadd.s32 $0xFFFFFFFF, s30;
	_ =	swait.ge [sflag:s28], $0x4000  }
0x75: {  	p1 =	sne.s32 s30, $0x0;
	[sflag:s28] =	ssyncset.done $0x0  }
.Ltmp1:
0x76: {  	[sflag:s28] =	ssyncadd.s32 $0xFFFFC000;
	(pc) =	sbr.rel @p1 .LBB2_1-.Ltmp1, $4  }
0x77: {  	_ =	swait.ge [sflag:s29], $0x4000  }
0x78: {  	[sflag:s29] =	ssyncset.done $0x0  }
0x79: {  	[sflag:s29] =	ssyncadd.s32 $0xFFFFC000  }
0x7a: {  	_ =	swait.ge [sflag:s31], $0x4000  }
.LBB2_2:
0x7b: {  	[sflag:s31] =	ssyncset.done $0x0  }
0x7c: {  	[sflag:s31] =	ssyncadd.s32 $0xFFFFC000  }
0x7d: {  	_ =	sfence.sel $0x180000  }
0x7e: {  	[bflag:$0x0] =	sbarrier.arrive $0xFFFF  }
0x7f: {  	_ =	strace $0x90000047  }
0x80: {  	[bflag:$0x2] =	sbarrier.arrive $0xFFFF  }
0x81: {  	s0 =	rddreg [dreg:$0x4]  }
0x82: {  	s0 =	sadd.s32 @!p0 $0x100000, s0  }
0x83: {  	[sflag:s0] =	ssyncadd.tile.s32 @!p0 $0x1;
	_ =	shalt  }
.Lfunc_end2:
_tile_overlayer_lowered:
.L_overlay_start_2:
0x84: {  	(tag) =	ssettag $0x2  }
0x85: {  	s0 =	rddreg [dreg:$0x0];
	s2 =	stileid.u32  }
0x86: {  	s1 =	rddreg [dreg:$0x1];
	p0 =	sne.s32 s2, $0x0  }
0x87: {  	s3 =	rddreg [dreg:$0x2];
	[bflag:$0x3] =	sbarrier.arrive $0xFFFF;
	s2 =	simm.s32 @!p0 $0x1C0D  }
0x88: {  	[timem:s3], [sflag:s2] =	dma.local @!p0 [hbm:s0], s1  }
0x89: {  	s0 =	simm.s32 @!p0 $0xD  }
0x8a: {  	_ =	swait.ge @!p0 [sflag:s0], s1  }
0x8b: {  	s1 =	ssub.s32 @!p0 $0x0, s1;
	[sflag:s0] =	ssyncset.done @!p0 $0x0  }
0x8c: {  	[sflag:s0] =	ssyncadd.s32 @!p0 s1  }
0x8d: {  	[bflag:$0x3] =	sbarrier.arrive $0xFFFF  }
0x8e: {  	_ =	shalt  }

</sc_bundles>
